<compile_context>
chip_gen: v7x
topology: tpu7x:2x2x1
jax: 0.10.2.dev20260603
libtpu: 0.0.44.dev20260713+nightly
codegen_flags: <defaults>
</compile_context>

<pallas_src>
import functools

import jax
import jax.numpy as jnp
from jax import lax
from jax.experimental import pallas as pl
from jax.experimental.pallas import tpu as pltpu
from jax.experimental.pallas import tpu_sc as plsc

START_TOKEN = 101
END_TOKEN = 102
TOTAL_TOK = 32768
BATCH = 16
MAX_SEQ = 4096
L_OUT = MAX_SEQ + 2
HALF = 2064
TAIL = L_OUT - HALF
N_GROUPS0 = HALF // 16
N_GROUPS1 = (TAIL + 15) // 16
C_IN = 2072
GUARD = 8
TOK_BUF = 4160
BASE_MAX = GUARD + (TOTAL_TOK - 1) - (TOTAL_TOK - C_IN) + 1

_mesh = plsc.VectorSubcoreMesh(core_axis_name="c", subcore_axis_name="s")


@functools.partial(
    pl.kernel,
    out_type=jax.ShapeDtypeStruct((BATCH, L_OUT), jnp.int32),
    mesh=_mesh,
    compiler_params=pltpu.CompilerParams(use_tc_tiling_on_sc=False),
    scratch_types=[
        pltpu.VMEM((32,), jnp.int32),
        pltpu.VMEM((TOK_BUF,), jnp.int32),
        pltpu.VMEM((HALF,), jnp.int32),
        pltpu.SemaphoreType.DMA,
    ],
)
def _sc_body(flat_hbm, cu_hbm, ids_hbm, cu_v, tok_v, row_v, sem):
    row = lax.axis_index("s")
    half = lax.axis_index("c")
    lanes = lax.iota(jnp.int32, 16)

    cu_cp = pltpu.async_copy(cu_hbm.at[pl.ds(0, 16)], cu_v.at[pl.ds(0, 16)], sem)
    cu_cp.wait()
    start = cu_v[pl.ds(row, 16)][0]
    end = jnp.where(row == BATCH - 1, TOTAL_TOK, cu_v[pl.ds(row + 1, 16)][0])
    trim = jnp.minimum(end - start, MAX_SEQ)

    p0 = half * HALF
    t0 = jnp.maximum(start + p0 - 1, 0)
    s_al = jnp.minimum((t0 // 8) * 8, TOTAL_TOK - C_IN)
    s_al = pl.multiple_of(s_al, 8)
    pltpu.sync_copy(flat_hbm.at[pl.ds(s_al, C_IN)], tok_v.at[pl.ds(GUARD, C_IN)])
    base0 = jnp.minimum(GUARD + start + p0 - 1 - s_al, BASE_MAX)

    n_groups = jnp.where(half == 0, N_GROUPS0, N_GROUPS1)
    nc = jnp.clip((trim - p0 + 1) // 16, 0, n_groups)

    @plsc.parallel_loop(0, nc, unroll=8)
    def _copy(i):
        row_v[pl.ds(i * 16, 16)] = tok_v[pl.ds(base0 + i * 16, 16)]

    @pl.when(nc < n_groups)
    def _():
        p = p0 + nc * 16 + lanes
        vals = tok_v[pl.ds(base0 + nc * 16, 16)]
        o = jnp.where(p == 0, START_TOKEN,
             jnp.where(p == trim + 1, END_TOKEN,
              jnp.where(p <= trim, vals, 0)))
        row_v[pl.ds(nc * 16, 16)] = o

    zvec = jnp.zeros((16,), jnp.int32)

    @plsc.parallel_loop(jnp.minimum(nc + 1, n_groups), n_groups, unroll=8)
    def _zero(i):
        row_v[pl.ds(i * 16, 16)] = zvec

    @pl.when(half == 0)
    def _():
        row_v[pl.ds(0, 16)] = jnp.where(lanes == 0, START_TOKEN,
                                        row_v[pl.ds(0, 16)])
        pltpu.sync_copy(row_v, ids_hbm.at[row, pl.ds(0, HALF)])

    @pl.when(half == 1)
    def _():
        pltpu.sync_copy(row_v.at[pl.ds(0, TAIL)],
                        ids_hbm.at[row, pl.ds(HALF, TAIL)])


def kernel(flat_tokens, cu_seqlens, max_seq_len):
    del max_seq_len
    input_ids = _sc_body(flat_tokens.astype(jnp.int32),
                         cu_seqlens.astype(jnp.int32))
    tail = lax.slice(input_ids, (0, MAX_SEQ), (BATCH, L_OUT))
    input_ids = lax.dynamic_update_slice(input_ids, tail, (0, MAX_SEQ))
    token_type_ids = jnp.zeros((BATCH, L_OUT), jnp.int32)
    return (input_ids, token_type_ids)

# --- scband reference (transcript-rebuilt; emitter-appended) ---
"""Pipeline reference for scband-my-bert-tokenizer-trimmed-90744069030006 (READ-ONLY COPY).

The authoritative reference and input builder live on the scoring server;
editing this copy changes nothing except your own understanding.
"""

import jax, jax.numpy as jnp
import numpy as np

START_TOKEN = 101
END_TOKEN = 102
TOTAL_TOK = 32768
BATCH = 16
VOCAB = 30522
MAX_SEQ_LEN = 4096

def setup_inputs(seed: int = 0) -> dict:
    key = jax.random.key(seed)
    k1, k2 = jax.random.split(key)
    # ragged row splits: cu_seqlens[0]=0, cu_seqlens[-1]=TOTAL_TOK, sorted interior cut points
    cuts = jnp.sort(jax.random.randint(k1, (BATCH - 1,), 0, TOTAL_TOK))
    cu_seqlens = jnp.concatenate([jnp.zeros((1,), dtype=jnp.int32),
                                  cuts.astype(jnp.int32),
                                  jnp.full((1,), TOTAL_TOK, dtype=jnp.int32)])
    # pre-tokenized wordpiece ids (the tf_text BertTokenizer output, flattened ragged values)
    flat_tokens = jax.random.randint(k2, (TOTAL_TOK,), 0, VOCAB).astype(jnp.int32)
    return {"flat_tokens": flat_tokens, "cu_seqlens": cu_seqlens, "max_seq_len": MAX_SEQ_LEN}

def reference(flat_tokens, cu_seqlens, max_seq_len):
    # Faithful jax translation of MyBertTokenizerTrimmed.call on pre-tokenized ragged input:
    #  1. RoundRobinTrimmer with a single segment == truncate each row to max_seq_len
    #  2. combine_segments: prepend START_TOKEN, append END_TOKEN, segment_ids all 0
    #  3. to_tensor(): pad to dense [B, max_seq_len + 2] with 0
    B = cu_seqlens.shape[0] - 1
    L = MAX_SEQ_LEN + 2
    starts = cu_seqlens[:-1]
    lens = cu_seqlens[1:] - starts
    trim = jnp.minimum(lens, max_seq_len)  # [B]
    j = jnp.arange(L, dtype=jnp.int32)[None, :]  # [1, L]
    gather_idx = starts[:, None] + j - 1  # token slot j holds flat_tokens[start + j - 1]
    gather_idx = jnp.clip(gather_idx, 0, flat_tokens.shape[0] - 1)
    gathered = jnp.take(flat_tokens, gather_idx, axis=0)  # [B, L] ragged gather
    valid = (j >= 1) & (j <= trim[:, None])
    input_ids = jnp.where(j == 0, START_TOKEN,
                 jnp.where(j == trim[:, None] + 1, END_TOKEN,
                  jnp.where(valid, gathered, 0))).astype(jnp.int32)
    token_type_ids = jnp.zeros((B, L), dtype=jnp.int32)  # single segment -> all zeros, padded 0
    return (input_ids, token_type_ids)

if __name__ == "__main__":
    import jax
    _d = setup_inputs()
    print(jax.jit(kernel)(*tuple(_d.values())))

</pallas_src>

<mosaic_0001>
#map = affine_map<(d0, d1) -> (0)>
#map1 = affine_map<(d0, d1) -> (0, 0)>
module attributes {stable_mosaic.version = 14 : i64} {
  func.func @_sc_body(%arg0: i32, %arg1: i32, %arg2: memref<32768xi32, #tpu.memory_space<hbm>>, %arg3: memref<17xi32, #tpu.memory_space<hbm>>, %arg4: memref<16x4098xi32, #tpu.memory_space<hbm>>, %arg5: memref<32xi32, #tpu.memory_space<vmem>>, %arg6: memref<4160xi32, #tpu.memory_space<vmem>>, %arg7: memref<2064xi32, #tpu.memory_space<vmem>>, %arg8: memref<!tpu.dma_semaphore, #tpu.memory_space<semaphore_mem>>) attributes {dimension_semantics = [#tpu.dimension_semantics<core_parallel>, #tpu.dimension_semantics<subcore_parallel>], iteration_bounds = array<i64: 2, 16>, scalar_prefetch = 0 : i64, scratch_operands = 4 : i64, tpu.core_type = #tpu.core_type<sc_vector_subcore>, window_params = [{transform_indices = #map}, {transform_indices = #map}, {transform_indices = #map1}]} {
    %iota3A = tpu.iota {dimensions = array<i32: 0>} : vector<16xi32>
    %dma_start3A = arith.constant 0 : i32
    %dma_start3A_0 = tpu.memref_slice %arg5[%dma_start3A] : memref<32xi32, #tpu.memory_space<vmem>> -> memref<16xi32, #tpu.memory_space<vmem>>
    %dma_start3A_1 = arith.constant 0 : i32
    %dma_start3A_2 = tpu.memref_slice %arg3[%dma_start3A_1] : memref<17xi32, #tpu.memory_space<hbm>> -> memref<16xi32, #tpu.memory_space<hbm>>
    %dma_start3A_3 = arith.constant 0 : i32
    %dma_start3A_4 = tpu.memref_slice %arg5[%dma_start3A_3] : memref<32xi32, #tpu.memory_space<vmem>> -> memref<16xi32, #tpu.memory_space<vmem>>
    %dma_start3A_5 = arith.constant 0 : i32
    %dma_start3A_6 = tpu.memref_slice %arg3[%dma_start3A_5] : memref<17xi32, #tpu.memory_space<hbm>> -> memref<16xi32, #tpu.memory_space<hbm>>
    tpu.enqueue_dma source(%dma_start3A_6 : memref<16xi32, #tpu.memory_space<hbm>>) target(%dma_start3A_4 : memref<16xi32, #tpu.memory_space<vmem>>) target_semaphore(%arg8 : memref<!tpu.dma_semaphore, #tpu.memory_space<semaphore_mem>>)
    %dma_wait3A = arith.constant 0 : i32
    %dma_wait3A_7 = tpu.memref_slice %arg5[%dma_wait3A] : memref<32xi32, #tpu.memory_space<vmem>> -> memref<16xi32, #tpu.memory_space<vmem>>
    %dma_wait3A_8 = arith.constant 0 : i32
    %dma_wait3A_9 = tpu.memref_slice %arg3[%dma_wait3A_8] : memref<17xi32, #tpu.memory_space<hbm>> -> memref<16xi32, #tpu.memory_space<hbm>>
    %dma_wait3A_10 = arith.constant 0 : i32
    %dma_wait3A_11 = tpu.memref_slice %arg5[%dma_wait3A_10] : memref<32xi32, #tpu.memory_space<vmem>> -> memref<16xi32, #tpu.memory_space<vmem>>
    %dma_wait3A_12 = arith.constant 0 : i32
    %dma_wait3A_13 = tpu.memref_slice %arg3[%dma_wait3A_12] : memref<17xi32, #tpu.memory_space<hbm>> -> memref<16xi32, #tpu.memory_space<hbm>>
    tpu.wait_dma2 semaphore(%arg8 : memref<!tpu.dma_semaphore, #tpu.memory_space<semaphore_mem>>) src(%dma_wait3A_13 : memref<16xi32, #tpu.memory_space<hbm>>) dst(%dma_wait3A_11 : memref<16xi32, #tpu.memory_space<vmem>>)
    %get3A = arith.index_cast %arg1 : i32 to index
    %get3A_14 = tpu.vector_load %arg5[%get3A] {strides = array<i32>} : memref<32xi32, #tpu.memory_space<vmem>>, vector<16xi32>,
    %get3A_15 = vector.shape_cast %get3A_14 : vector<16xi32> to vector<16xi32>
    %slice3A = vector.extract_strided_slice %get3A_15 {offsets = [0], sizes = [1], strides = [1]} : vector<16xi32> to vector<1xi32>
    %squeeze3A = vector.extract %slice3A[0] : i32 from vector<1xi32>
    %eq3A = arith.constant 15 : i32
    %eq3A_16 = arith.cmpi eq, %arg1, %eq3A : i32
    %add3A = arith.constant 1 : i32
    %add3A_17 = arith.addi %arg1, %add3A : i32
    %get3A_18 = arith.index_cast %add3A_17 : i32 to index
    %get3A_19 = tpu.vector_load %arg5[%get3A_18] {strides = array<i32>} : memref<32xi32, #tpu.memory_space<vmem>>, vector<16xi32>,
    %get3A_20 = vector.shape_cast %get3A_19 : vector<16xi32> to vector<16xi32>
    %slice3A_21 = vector.extract_strided_slice %get3A_20 {offsets = [0], sizes = [1], strides = [1]} : vector<16xi32> to vector<1xi32>
    %squeeze3A_22 = vector.extract %slice3A_21[0] : i32 from vector<1xi32>
    %jit3A = arith.constant 32768 : i32
    %select_n3A = arith.select %eq3A_16, %jit3A, %squeeze3A_22 : i32
    %sub3A = arith.subi %select_n3A, %squeeze3A : i32
    %min3A = arith.constant 4096 : i32
    %min3A_23 = arith.minsi %sub3A, %min3A : i32
    %mul3A = arith.constant 2064 : i32
    %mul3A_24 = arith.muli %arg0, %mul3A : i32
    %add3A_25 = arith.addi %squeeze3A, %mul3A_24 : i32
    %sub3A_26 = arith.constant 1 : i32
    %sub3A_27 = arith.subi %add3A_25, %sub3A_26 : i32
    %max3A = arith.constant 0 : i32
    %max3A_28 = arith.maxsi %sub3A_27, %max3A : i32
    %jit3A_29 = arith.constant 8 : i32
    %div3A = arith.divsi %max3A_28, %jit3A_29 : i32
    %sign3A = arith.constant 0 : i32
    %sign3A_30 = arith.cmpi sgt, %max3A_28, %sign3A : i32
    %sign3A_31 = arith.extui %sign3A_30 : i1 to i32
    %sign3A_32 = arith.constant 0 : i32
    %sign3A_33 = arith.cmpi slt, %max3A_28, %sign3A_32 : i32
    %sign3A_34 = arith.extui %sign3A_33 : i1 to i32
    %sign3A_35 = arith.subi %sign3A_31, %sign3A_34 : i32
    %sign3A_36 = arith.constant 0 : i32
    %sign3A_37 = arith.cmpi sgt, %jit3A_29, %sign3A_36 : i32
    %sign3A_38 = arith.extui %sign3A_37 : i1 to i32
    %sign3A_39 = arith.constant 0 : i32
    %sign3A_40 = arith.cmpi slt, %jit3A_29, %sign3A_39 : i32
    %sign3A_41 = arith.extui %sign3A_40 : i1 to i32
    %sign3A_42 = arith.subi %sign3A_38, %sign3A_41 : i32
    %ne3A = arith.cmpi ne, %sign3A_35, %sign3A_42 : i32
    %rem3A = arith.remsi %max3A_28, %jit3A_29 : i32
    %ne3A_43 = arith.constant 0 : i32
    %ne3A_44 = arith.cmpi ne, %rem3A, %ne3A_43 : i32
    %and3A = arith.andi %ne3A, %ne3A_44 : i1
    %sub3A_45 = arith.constant 1 : i32
    %sub3A_46 = arith.subi %div3A, %sub3A_45 : i32
    %select_n3A_47 = arith.select %and3A, %sub3A_46, %div3A : i32
    %mul3A_48 = arith.constant 8 : i32
    %mul3A_49 = arith.muli %select_n3A_47, %mul3A_48 : i32
    %min3A_50 = arith.constant 30696 : i32
    %min3A_51 = arith.minsi %mul3A_49, %min3A_50 : i32
    %multiple_of3A = tpu.assume_multiple %min3A_51, 8 : i32
    "tpu.region"() ({
      %run_scoped3A = tpu.sem_alloc : memref<!tpu.dma_semaphore, #tpu.memory_space<semaphore_mem>>
      %dma_start3A_112 = arith.constant 8 : i32
      %dma_start3A_113 = tpu.memref_slice %arg6[%dma_start3A_112] : memref<4160xi32, #tpu.memory_space<vmem>> -> memref<2072xi32, #tpu.memory_space<vmem>>
      %dma_start3A_114 = tpu.memref_slice %arg2[%multiple_of3A] : memref<32768xi32, #tpu.memory_space<hbm>> -> memref<2072xi32, #tpu.memory_space<hbm>>
      %dma_start3A_115 = arith.constant 8 : i32
      %dma_start3A_116 = tpu.memref_slice %arg6[%dma_start3A_115] : memref<4160xi32, #tpu.memory_space<vmem>> -> memref<2072xi32, #tpu.memory_space<vmem>>
      %dma_start3A_117 = tpu.memref_slice %arg2[%multiple_of3A] : memref<32768xi32, #tpu.memory_space<hbm>> -> memref<2072xi32, #tpu.memory_space<hbm>>
      tpu.enqueue_dma source(%dma_start3A_117 : memref<2072xi32, #tpu.memory_space<hbm>>) target(%dma_start3A_116 : memref<2072xi32, #tpu.memory_space<vmem>>) target_semaphore(%run_scoped3A : memref<!tpu.dma_semaphore, #tpu.memory_space<semaphore_mem>>)
      %dma_wait3A_118 = arith.constant 8 : i32
      %dma_wait3A_119 = tpu.memref_slice %arg6[%dma_wait3A_118] : memref<4160xi32, #tpu.memory_space<vmem>> -> memref<2072xi32, #tpu.memory_space<vmem>>
      %dma_wait3A_120 = tpu.memref_slice %arg2[%multiple_of3A] : memref<32768xi32, #tpu.memory_space<hbm>> -> memref<2072xi32, #tpu.memory_space<hbm>>
      %dma_wait3A_121 = arith.constant 8 : i32
      %dma_wait3A_122 = tpu.memref_slice %arg6[%dma_wait3A_121] : memref<4160xi32, #tpu.memory_space<vmem>> -> memref<2072xi32, #tpu.memory_space<vmem>>
      %dma_wait3A_123 = tpu.memref_slice %arg2[%multiple_of3A] : memref<32768xi32, #tpu.memory_space<hbm>> -> memref<2072xi32, #tpu.memory_space<hbm>>
      tpu.wait_dma2 semaphore(%run_scoped3A : memref<!tpu.dma_semaphore, #tpu.memory_space<semaphore_mem>>) src(%dma_wait3A_123 : memref<2072xi32, #tpu.memory_space<hbm>>) dst(%dma_wait3A_122 : memref<2072xi32, #tpu.memory_space<vmem>>)
      tpu.yield
    }) : () -> ()
    %add3A_52 = arith.constant 8 : i32
    %add3A_53 = arith.addi %add3A_52, %squeeze3A : i32
    %add3A_54 = arith.addi %add3A_53, %mul3A_24 : i32
    %sub3A_55 = arith.constant 1 : i32
    %sub3A_56 = arith.subi %add3A_54, %sub3A_55 : i32
    %sub3A_57 = arith.subi %sub3A_56, %multiple_of3A : i32
    %min3A_58 = arith.constant 2080 : i32
    %min3A_59 = arith.minsi %sub3A_57, %min3A_58 : i32
    %eq3A_60 = arith.constant 0 : i32
    %eq3A_61 = arith.cmpi eq, %arg0, %eq3A_60 : i32
    %jit3A_62 = arith.constant 129 : i32
    %jit3A_63 = arith.constant 128 : i32
    %select_n3A_64 = arith.select %eq3A_61, %jit3A_62, %jit3A_63 : i32
    %sub3A_65 = arith.subi %min3A_23, %mul3A_24 : i32
    %add3A_66 = arith.constant 1 : i32
    %add3A_67 = arith.addi %sub3A_65, %add3A_66 : i32
    %jit3A_68 = arith.constant 16 : i32
    %div3A_69 = arith.divsi %add3A_67, %jit3A_68 : i32
    %sign3A_70 = arith.constant 0 : i32
    %sign3A_71 = arith.cmpi sgt, %add3A_67, %sign3A_70 : i32
    %sign3A_72 = arith.extui %sign3A_71 : i1 to i32
    %sign3A_73 = arith.constant 0 : i32
    %sign3A_74 = arith.cmpi slt, %add3A_67, %sign3A_73 : i32
    %sign3A_75 = arith.extui %sign3A_74 : i1 to i32
    %sign3A_76 = arith.subi %sign3A_72, %sign3A_75 : i32
    %sign3A_77 = arith.constant 0 : i32
    %sign3A_78 = arith.cmpi sgt, %jit3A_68, %sign3A_77 : i32
    %sign3A_79 = arith.extui %sign3A_78 : i1 to i32
    %sign3A_80 = arith.constant 0 : i32
    %sign3A_81 = arith.cmpi slt, %jit3A_68, %sign3A_80 : i32
    %sign3A_82 = arith.extui %sign3A_81 : i1 to i32
    %sign3A_83 = arith.subi %sign3A_79, %sign3A_82 : i32
    %ne3A_84 = arith.cmpi ne, %sign3A_76, %sign3A_83 : i32
    %rem3A_85 = arith.remsi %add3A_67, %jit3A_68 : i32
    %ne3A_86 = arith.constant 0 : i32
    %ne3A_87 = arith.cmpi ne, %rem3A_85, %ne3A_86 : i32
    %and3A_88 = arith.andi %ne3A_84, %ne3A_87 : i1
    %sub3A_89 = arith.constant 1 : i32
    %sub3A_90 = arith.subi %div3A_69, %sub3A_89 : i32
    %select_n3A_91 = arith.select %and3A_88, %sub3A_90, %div3A_69 : i32
    %jit3A_92 = arith.constant 0 : i32
    %max3A_93 = arith.maxsi %jit3A_92, %select_n3A_91 : i32
    %min3A_94 = arith.minsi %select_n3A_64, %max3A_93 : i32
    %parallel_loop3A = arith.constant 0 : i32
    %parallel_loop3A_95 = arith.constant 1 : i32
    scf.for %parallel_loop3A_112 = %parallel_loop3A to %min3A_94 step %parallel_loop3A_95  : i32 {
      %parallel_loop3A_113 = arith.constant 16 : i32
      %parallel_loop3A_114 = arith.muli %parallel_loop3A_112, %parallel_loop3A_113 : i32
      %parallel_loop3A_115 = arith.addi %min3A_59, %parallel_loop3A_114 : i32
      %parallel_loop3A_116 = arith.index_cast %parallel_loop3A_115 : i32 to index
      %parallel_loop3A_117 = tpu.vector_load %arg6[%parallel_loop3A_116] {strides = array<i32>} : memref<4160xi32, #tpu.memory_space<vmem>>, vector<16xi32>,
      %parallel_loop3A_118 = vector.shape_cast %parallel_loop3A_117 : vector<16xi32> to vector<16xi32>
      %parallel_loop3A_119 = arith.constant 16 : i32
      %parallel_loop3A_120 = arith.muli %parallel_loop3A_112, %parallel_loop3A_119 : i32
      %parallel_loop3A_121 = arith.index_cast %parallel_loop3A_120 : i32 to index
      %parallel_loop3A_122 = tpu.vector_load %arg7[%parallel_loop3A_121] {strides = array<i32>} : memref<2064xi32, #tpu.memory_space<vmem>>, vector<16xi32>,
      %parallel_loop3A_123 = vector.shape_cast %parallel_loop3A_122 : vector<16xi32> to vector<16xi32>
      %parallel_loop3A_124 = vector.shape_cast %parallel_loop3A_118 : vector<16xi32> to vector<16xi32>
      tpu.vector_store %arg7[%parallel_loop3A_121], %parallel_loop3A_124 {strides = array<i32>} : memref<2064xi32, #tpu.memory_space<vmem>>, vector<16xi32>,
    } {sc.loop_unroll_factor = 8 : i64, sc.parallel_access}
    %lt3A = arith.cmpi slt, %min3A_94, %select_n3A_64 : i32
    %convert_element_type3A = arith.extui %lt3A : i1 to i32
    %cond3A = arith.constant 0 : i32
    %cond3A_96 = arith.cmpi ne, %convert_element_type3A, %cond3A : i32
    scf.if %cond3A_96 {
      %mul3A_112 = arith.constant 16 : i32
      %mul3A_113 = arith.muli %min3A_94, %mul3A_112 : i32
      %add3A_114 = arith.addi %mul3A_24, %mul3A_113 : i32
      %add3A_115 = vector.broadcast %add3A_114 : i32 to vector<16xi32>
      %add3A_116 = arith.addi %add3A_115, %iota3A : vector<16xi32>
      %mul3A_117 = arith.constant 16 : i32
      %mul3A_118 = arith.muli %min3A_94, %mul3A_117 : i32
      %add3A_119 = arith.addi %min3A_59, %mul3A_118 : i32
      %get3A_120 = arith.index_cast %add3A_119 : i32 to index
      %get3A_121 = tpu.vector_load %arg6[%get3A_120] {strides = array<i32>} : memref<4160xi32, #tpu.memory_space<vmem>>, vector<16xi32>,
      %get3A_122 = vector.shape_cast %get3A_121 : vector<16xi32> to vector<16xi32>
      %eq3A_123 = arith.constant 0 : i32
      %eq3A_124 = vector.broadcast %eq3A_123 : i32 to vector<16xi32>
      %eq3A_125 = arith.cmpi eq, %add3A_116, %eq3A_124 : vector<16xi32>
      %add3A_126 = arith.constant 1 : i32
      %add3A_127 = arith.addi %min3A_23, %add3A_126 : i32
      %eq3A_128 = vector.broadcast %add3A_127 : i32 to vector<16xi32>
      %eq3A_129 = arith.cmpi eq, %add3A_116, %eq3A_128 : vector<16xi32>
      %le3A = vector.broadcast %min3A_23 : i32 to vector<16xi32>
      %le3A_130 = arith.cmpi sle, %add3A_116, %le3A : vector<16xi32>
      %jit3A_131 = arith.constant 0 : i32
      %broadcast_in_dim3A_132 = vector.broadcast %jit3A_131 : i32 to vector<16xi32>
      %select_n3A_133 = arith.select %le3A_130, %get3A_122, %broadcast_in_dim3A_132 : vector<16xi1>, vector<16xi32>
      %jit3A_134 = arith.constant 102 : i32
      %broadcast_in_dim3A_135 = vector.broadcast %jit3A_134 : i32 to vector<16xi32>
      %select_n3A_136 = arith.select %eq3A_129, %broadcast_in_dim3A_135, %select_n3A_133 : vector<16xi1>, vector<16xi32>
      %jit3A_137 = arith.constant 101 : i32
      %broadcast_in_dim3A_138 = vector.broadcast %jit3A_137 : i32 to vector<16xi32>
      %select_n3A_139 = arith.select %eq3A_125, %broadcast_in_dim3A_138, %select_n3A_136 : vector<16xi1>, vector<16xi32>
      %mul3A_140 = arith.constant 16 : i32
      %mul3A_141 = arith.muli %min3A_94, %mul3A_140 : i32
      %swap3A = arith.index_cast %mul3A_141 : i32 to index
      %swap3A_142 = tpu.vector_load %arg7[%swap3A] {strides = array<i32>} : memref<2064xi32, #tpu.memory_space<vmem>>, vector<16xi32>,
      %swap3A_143 = vector.shape_cast %swap3A_142 : vector<16xi32> to vector<16xi32>
      %swap3A_144 = vector.shape_cast %select_n3A_139 : vector<16xi32> to vector<16xi32>
      tpu.vector_store %arg7[%swap3A], %swap3A_144 {strides = array<i32>} : memref<2064xi32, #tpu.memory_space<vmem>>, vector<16xi32>,
    } else {
    }
    %broadcast_in_dim3A = arith.constant 0 : i32
    %broadcast_in_dim3A_97 = vector.broadcast %broadcast_in_dim3A : i32 to vector<16xi32>
    %add3A_98 = arith.constant 1 : i32
    %add3A_99 = arith.addi %min3A_94, %add3A_98 : i32
    %min3A_100 = arith.minsi %add3A_99, %select_n3A_64 : i32
    %parallel_loop3A_101 = arith.constant 1 : i32
    scf.for %parallel_loop3A_112 = %min3A_100 to %select_n3A_64 step %parallel_loop3A_101  : i32 {
      %parallel_loop3A_113 = arith.constant 16 : i32
      %parallel_loop3A_114 = arith.muli %parallel_loop3A_112, %parallel_loop3A_113 : i32
      %parallel_loop3A_115 = arith.index_cast %parallel_loop3A_114 : i32 to index
      %parallel_loop3A_116 = tpu.vector_load %arg7[%parallel_loop3A_115] {strides = array<i32>} : memref<2064xi32, #tpu.memory_space<vmem>>, vector<16xi32>,
      %parallel_loop3A_117 = vector.shape_cast %parallel_loop3A_116 : vector<16xi32> to vector<16xi32>
      %parallel_loop3A_118 = vector.shape_cast %broadcast_in_dim3A_97 : vector<16xi32> to vector<16xi32>
      tpu.vector_store %arg7[%parallel_loop3A_115], %parallel_loop3A_118 {strides = array<i32>} : memref<2064xi32, #tpu.memory_space<vmem>>, vector<16xi32>,
    } {sc.loop_unroll_factor = 8 : i64, sc.parallel_access}
    %eq3A_102 = arith.constant 0 : i32
    %eq3A_103 = arith.cmpi eq, %arg0, %eq3A_102 : i32
    %convert_element_type3A_104 = arith.extui %eq3A_103 : i1 to i32
    %cond3A_105 = arith.constant 0 : i32
    %cond3A_106 = arith.cmpi ne, %convert_element_type3A_104, %cond3A_105 : i32
    scf.if %cond3A_106 {
      %eq3A_112 = arith.constant 0 : i32
      %eq3A_113 = vector.broadcast %eq3A_112 : i32 to vector<16xi32>
      %eq3A_114 = arith.cmpi eq, %iota3A, %eq3A_113 : vector<16xi32>
      %get3A_115 = arith.constant 0 : index
      %get3A_116 = tpu.vector_load %arg7[%get3A_115] {strides = array<i32>} : memref<2064xi32, #tpu.memory_space<vmem>>, vector<16xi32>,
      %get3A_117 = vector.shape_cast %get3A_116 : vector<16xi32> to vector<16xi32>
      %jit3A_118 = arith.constant 101 : i32
      %broadcast_in_dim3A_119 = vector.broadcast %jit3A_118 : i32 to vector<16xi32>
      %select_n3A_120 = arith.select %eq3A_114, %broadcast_in_dim3A_119, %get3A_117 : vector<16xi1>, vector<16xi32>
      %swap3A = arith.constant 0 : index
      %swap3A_121 = tpu.vector_load %arg7[%swap3A] {strides = array<i32>} : memref<2064xi32, #tpu.memory_space<vmem>>, vector<16xi32>,
      %swap3A_122 = vector.shape_cast %swap3A_121 : vector<16xi32> to vector<16xi32>
      %swap3A_123 = vector.shape_cast %select_n3A_120 : vector<16xi32> to vector<16xi32>
      tpu.vector_store %arg7[%swap3A], %swap3A_123 {strides = array<i32>} : memref<2064xi32, #tpu.memory_space<vmem>>, vector<16xi32>,
      "tpu.region"() ({
        %run_scoped3A = tpu.sem_alloc : memref<!tpu.dma_semaphore, #tpu.memory_space<semaphore_mem>>
        %dma_start3A_124 = arith.constant 0 : i32
        %dma_start3A_125 = tpu.memref_slice %arg4[%arg1, %dma_start3A_124] : memref<16x4098xi32, #tpu.memory_space<hbm>> -> memref<1x2064xi32, #tpu.memory_space<hbm>>
        %dma_start3A_126 = tpu.memref_squeeze %dma_start3A_125 : memref<1x2064xi32, #tpu.memory_space<hbm>> -> memref<2064xi32, #tpu.memory_space<hbm>>
        %dma_start3A_127 = arith.constant 0 : i32
        %dma_start3A_128 = tpu.memref_slice %arg4[%arg1, %dma_start3A_127] : memref<16x4098xi32, #tpu.memory_space<hbm>> -> memref<1x2064xi32, #tpu.memory_space<hbm>>
        %dma_start3A_129 = tpu.memref_squeeze %dma_start3A_128 : memref<1x2064xi32, #tpu.memory_space<hbm>> -> memref<2064xi32, #tpu.memory_space<hbm>>
        tpu.enqueue_dma source(%arg7 : memref<2064xi32, #tpu.memory_space<vmem>>) target(%dma_start3A_129 : memref<2064xi32, #tpu.memory_space<hbm>>) target_semaphore(%run_scoped3A : memref<!tpu.dma_semaphore, #tpu.memory_space<semaphore_mem>>)
        %dma_wait3A_130 = arith.constant 0 : i32
        %dma_wait3A_131 = tpu.memref_slice %arg4[%arg1, %dma_wait3A_130] : memref<16x4098xi32, #tpu.memory_space<hbm>> -> memref<1x2064xi32, #tpu.memory_space<hbm>>
        %dma_wait3A_132 = tpu.memref_squeeze %dma_wait3A_131 : memref<1x2064xi32, #tpu.memory_space<hbm>> -> memref<2064xi32, #tpu.memory_space<hbm>>
        %dma_wait3A_133 = arith.constant 0 : i32
        %dma_wait3A_134 = tpu.memref_slice %arg4[%arg1, %dma_wait3A_133] : memref<16x4098xi32, #tpu.memory_space<hbm>> -> memref<1x2064xi32, #tpu.memory_space<hbm>>
        %dma_wait3A_135 = tpu.memref_squeeze %dma_wait3A_134 : memref<1x2064xi32, #tpu.memory_space<hbm>> -> memref<2064xi32, #tpu.memory_space<hbm>>
        tpu.wait_dma2 semaphore(%run_scoped3A : memref<!tpu.dma_semaphore, #tpu.memory_space<semaphore_mem>>) src(%arg7 : memref<2064xi32, #tpu.memory_space<vmem>>) dst(%dma_wait3A_135 : memref<2064xi32, #tpu.memory_space<hbm>>)
        tpu.yield
      }) : () -> ()
    } else {
    }
    %eq3A_107 = arith.constant 1 : i32
    %eq3A_108 = arith.cmpi eq, %arg0, %eq3A_107 : i32
    %convert_element_type3A_109 = arith.extui %eq3A_108 : i1 to i32
    %cond3A_110 = arith.constant 0 : i32
    %cond3A_111 = arith.cmpi ne, %convert_element_type3A_109, %cond3A_110 : i32
    scf.if %cond3A_111 {
      "tpu.region"() ({
        %run_scoped3A = tpu.sem_alloc : memref<!tpu.dma_semaphore, #tpu.memory_space<semaphore_mem>>
        %dma_start3A_112 = arith.constant 0 : i32
        %dma_start3A_113 = tpu.memref_slice %arg7[%dma_start3A_112] : memref<2064xi32, #tpu.memory_space<vmem>> -> memref<2034xi32, #tpu.memory_space<vmem>>
        %dma_start3A_114 = arith.constant 2064 : i32
        %dma_start3A_115 = tpu.memref_slice %arg4[%arg1, %dma_start3A_114] : memref<16x4098xi32, #tpu.memory_space<hbm>> -> memref<1x2034xi32, #tpu.memory_space<hbm>>
        %dma_start3A_116 = tpu.memref_squeeze %dma_start3A_115 : memref<1x2034xi32, #tpu.memory_space<hbm>> -> memref<2034xi32, #tpu.memory_space<hbm>>
        %dma_start3A_117 = arith.constant 2064 : i32
        %dma_start3A_118 = tpu.memref_slice %arg4[%arg1, %dma_start3A_117] : memref<16x4098xi32, #tpu.memory_space<hbm>> -> memref<1x2034xi32, #tpu.memory_space<hbm>>
        %dma_start3A_119 = tpu.memref_squeeze %dma_start3A_118 : memref<1x2034xi32, #tpu.memory_space<hbm>> -> memref<2034xi32, #tpu.memory_space<hbm>>
        %dma_start3A_120 = arith.constant 0 : i32
        %dma_start3A_121 = tpu.memref_slice %arg7[%dma_start3A_120] : memref<2064xi32, #tpu.memory_space<vmem>> -> memref<2034xi32, #tpu.memory_space<vmem>>
        tpu.enqueue_dma source(%dma_start3A_121 : memref<2034xi32, #tpu.memory_space<vmem>>) target(%dma_start3A_119 : memref<2034xi32, #tpu.memory_space<hbm>>) target_semaphore(%run_scoped3A : memref<!tpu.dma_semaphore, #tpu.memory_space<semaphore_mem>>)
        %dma_wait3A_122 = arith.constant 0 : i32
        %dma_wait3A_123 = tpu.memref_slice %arg7[%dma_wait3A_122] : memref<2064xi32, #tpu.memory_space<vmem>> -> memref<2034xi32, #tpu.memory_space<vmem>>
        %dma_wait3A_124 = arith.constant 2064 : i32
        %dma_wait3A_125 = tpu.memref_slice %arg4[%arg1, %dma_wait3A_124] : memref<16x4098xi32, #tpu.memory_space<hbm>> -> memref<1x2034xi32, #tpu.memory_space<hbm>>
        %dma_wait3A_126 = tpu.memref_squeeze %dma_wait3A_125 : memref<1x2034xi32, #tpu.memory_space<hbm>> -> memref<2034xi32, #tpu.memory_space<hbm>>
        %dma_wait3A_127 = arith.constant 2064 : i32
        %dma_wait3A_128 = tpu.memref_slice %arg4[%arg1, %dma_wait3A_127] : memref<16x4098xi32, #tpu.memory_space<hbm>> -> memref<1x2034xi32, #tpu.memory_space<hbm>>
        %dma_wait3A_129 = tpu.memref_squeeze %dma_wait3A_128 : memref<1x2034xi32, #tpu.memory_space<hbm>> -> memref<2034xi32, #tpu.memory_space<hbm>>
        %dma_wait3A_130 = arith.constant 0 : i32
        %dma_wait3A_131 = tpu.memref_slice %arg7[%dma_wait3A_130] : memref<2064xi32, #tpu.memory_space<vmem>> -> memref<2034xi32, #tpu.memory_space<vmem>>
        tpu.wait_dma2 semaphore(%run_scoped3A : memref<!tpu.dma_semaphore, #tpu.memory_space<semaphore_mem>>) src(%dma_wait3A_131 : memref<2034xi32, #tpu.memory_space<vmem>>) dst(%dma_wait3A_129 : memref<2034xi32, #tpu.memory_space<hbm>>)
        tpu.yield
      }) : () -> ()
    } else {
    }
    return
  }
}

</mosaic_0001>

<sc_bundles>
// kernel: kernel.3.cloned.1.call-start
scs
__scs_entry_jumppad:
0x0: {  	(pc) =	sbr.rel $0x88, $3  }
0x1: {  	(tag) =	ssettag $0x0;
	lr =	simm.s32 $0x1  }
0x2: {  	[smem:$0x3F9F] =	sst lr;
	_ =	strace $0xD0000000  }
0x3: {  	_ = 	snop  }
0x4: {  	_ = 	snop  }
0x5: {  	_ = 	snop  }
0x6: {  	_ = 	snop  }
0x7: {  	_ = 	snop  }
__scs_overlays_trampoline_lowered:
0x8: {  	[smem:$0x3FAE] =	sst s0  }
0x9: {  	[smem:$0x3FAF] =	sst s1  }
0xa: {  	[smem:$0x3FB0] =	sst s2  }
0xb: {  	[smem:$0x3FB1] =	sst s3  }
0xc: {  	[smem:$0x3FB2] =	sst s4  }
0xd: {  	[smem:$0x3FB3] =	sst s5  }
0xe: {  	[smem:$0x3FB4] =	sst s6  }
0xf: {  	[smem:$0x3FB5] =	sst s7  }
0x10: {  	[smem:$0x3FB6] =	sst s8  }
0x11: {  	[smem:$0x3FB7] =	sst s9;
	s0 =	simm.s32 @!p0 $0x0  }
0x12: {  	s1 =	sld [smem:$0x3F9D];
	s0 =	simm.s32 @p0 $0x1  }
0x13: {  	[smem:$0x3FB8] =	sst s0;
	s0 =	simm.s32 @!p1 $0x0  }
0x14: {  	s2 =	sld [smem:$0x3F9C];
	s0 =	simm.s32 @p1 $0x1  }
0x15: {  	[smem:$0x3FB9] =	sst s0;
	s0 =	simm.s32 @!p2 $0x0  }
0x16: {  	s3 =	sld [smem:$0x3FDB];
	s0 =	simm.s32 @p2 $0x1  }
0x17: {  	s4 =	simm.s32 $0x1BF5;
	[smem:$0x3FBB] =	sst s0  }
0x18: {  	s0 =	sld [smem:$0x3F9E];
	_ =	swait.ge [sflag:s4], $0x0  }
0x19: {  	s7 =	sld [smem:$0x3F9F]  }
0x1a: {  	s8 =	sadd.s32 $0xFFFFE003, lr  }
0x1b: {  	s9 =	sadd.s32 $0xFFFFFEF7, lr;
	s5 =	simm.s32 $0xFFFFFFFF;
	p2 =	slt.u32 s8, $0xFFFFF086  }
0x1c: {  	p1 =	slt.u32 s9, $0xF7A;
	s5 =	simm.s32 @!p2 $0x0  }
0x1d: {  	s5 =	simm.s32 @p1 $0x1;
	p0 =	seq.s32 s7, s2  }
0x1e: {  	s7 =	smul.u32 @!p0 $0xF7A, s2;
	p2 =	seq.s32 @!p0 s5, $0x0  }
0x1f: {  	s9 =	smul.u32 $0xF7A, s1;
	s8 =	simm.s32 @!p0 $0x1BF5;
	p2 =	por !p2, p0  }
0x20: {  	[sflag:s8] =	ssyncset.s32 @!p0 $0xFFFFF086;
	s6 =	sadd.s32 @!p0 s3, s7;
	s7 =	simm.s32 @!p0 $0x108  }
0x21: {  	s3 =	sadd.s32 s3, s9;
	s6 =	sadd.s32 @!p0 $0x88, s6;
	s7 =	simm.s32 @p2 $0x1082  }
0x22: {  	[simem:s7], [sflag:s8] =	dma.local @!p0 [hbm:s6], $0xF7A  }
0x23: {  	s9 =	sor.u32 $0xD0000000, s2;
	s6 =	simm.s32 $0x108;
	_ =	swait.ge @!p0 [sflag:s8], $0x0  }
0x24: {  	s3 =	sadd.s32 $0x88, s3;
	s6 =	simm.s32 @!p1 $0x1082;
	[sflag:s4] =	ssyncset.s32 $0xFFFFF086  }
0x25: {  	[simem:s6], [sflag:s4] =	dma.local [hbm:s3], $0xF7A  }
0x26: {  	[smem:$0x3F9F] =	sst s1;
	(tag) =	ssettag s2;
	_ =	strace s9  }
0x27: {  	s1 =	sld [smem:$0x3FAF]  }
0x28: {  	s2 =	sld [smem:$0x3FB0]  }
0x29: {  	s4 =	sld [smem:$0x3FB2]  }
0x2a: {  	p0 =	seq.s32 s5, $0x0;
	s5 =	sld [smem:$0x3FB3]  }
0x2b: {  	s6 =	sld [smem:$0x3FB4]  }
0x2c: {  	s7 =	sld [smem:$0x3FB5]  }
0x2d: {  	s3 =	simm.s32 $0x108;
	s8 =	sld [smem:$0x3FB6]  }
0x2e: {  	s3 =	simm.s32 @!p0 $0x1082;
	s9 =	sld [smem:$0x3FB7]  }
0x2f: {  	lr =	sadd.s32 s0, s3;
	s0 =	sld [smem:$0x3FAE]  }
0x30: {  	s3 =	sld [smem:$0x3FB1]  }
0x31: {  	[smem:$0x3FBA] =	sst s10  }
0x32: {  	s10 =	sld [smem:$0x3FB8];
	_ =	sdelay $0x3  }
0x33: {  	p0 =	seq.s32 s10, $0x1;
	s10 =	sld [smem:$0x3FBA];
	_ =	sdelay $0x3  }
0x34: {  	[smem:$0x3FBA] =	sst s10  }
0x35: {  	s10 =	sld [smem:$0x3FB9];
	_ =	sdelay $0x3  }
0x36: {  	p1 =	seq.s32 s10, $0x1;
	s10 =	sld [smem:$0x3FBA];
	_ =	sdelay $0x3  }
0x37: {  	[smem:$0x3FBA] =	sst s10  }
0x38: {  	s10 =	sld [smem:$0x3FBB]  }
0x39: {  	_ = 	snop;
	(pc) =	sbr.ind lr, $3  }
0x3a: {  	_ = 	snop  }
0x3b: {  	_ = 	snop  }
0x3c: {  	p2 =	seq.s32 s10, $0x1;
	s10 =	sld [smem:$0x3FBA]  }
0x3d: {  	_ =	shalt  }
0x3e: {  	_ =	shalt  }
0x3f: {  	_ =	shalt  }
0x40: {  	_ =	shalt  }
0x41: {  	_ =	shalt  }
0x42: {  	_ =	shalt  }
0x43: {  	_ =	shalt  }
0x44: {  	_ =	shalt  }
0x45: {  	_ =	shalt  }
0x46: {  	_ =	shalt  }
0x47: {  	_ =	shalt  }
0x48: {  	_ =	shalt  }
0x49: {  	_ =	shalt  }
0x4a: {  	_ =	shalt  }
0x4b: {  	_ =	shalt  }
0x4c: {  	_ =	shalt  }
0x4d: {  	_ =	shalt  }
0x4e: {  	_ =	shalt  }
0x4f: {  	_ =	shalt  }
0x50: {  	_ =	shalt  }
0x51: {  	_ =	shalt  }
0x52: {  	_ =	shalt  }
0x53: {  	_ =	shalt  }
0x54: {  	_ =	shalt  }
0x55: {  	_ =	shalt  }
0x56: {  	_ =	shalt  }
0x57: {  	_ =	shalt  }
0x58: {  	_ =	shalt  }
0x59: {  	_ =	shalt  }
0x5a: {  	_ =	shalt  }
0x5b: {  	_ =	shalt  }
0x5c: {  	_ =	shalt  }
0x5d: {  	_ =	shalt  }
0x5e: {  	_ =	shalt  }
0x5f: {  	_ =	shalt  }
0x60: {  	_ =	shalt  }
0x61: {  	_ =	shalt  }
0x62: {  	_ =	shalt  }
0x63: {  	_ =	shalt  }
0x64: {  	_ =	shalt  }
0x65: {  	_ =	shalt  }
0x66: {  	_ =	shalt  }
0x67: {  	_ =	shalt  }
0x68: {  	_ =	shalt  }
0x69: {  	_ =	shalt  }
0x6a: {  	_ =	shalt  }
0x6b: {  	_ =	shalt  }
0x6c: {  	_ =	shalt  }
0x6d: {  	_ =	shalt  }
0x6e: {  	_ =	shalt  }
0x6f: {  	_ =	shalt  }
0x70: {  	_ =	shalt  }
0x71: {  	_ =	shalt  }
0x72: {  	_ =	shalt  }
0x73: {  	_ =	shalt  }
0x74: {  	_ =	shalt  }
0x75: {  	_ =	shalt  }
0x76: {  	_ =	shalt  }
0x77: {  	_ =	shalt  }
0x78: {  	_ =	shalt  }
0x79: {  	_ =	shalt  }
0x7a: {  	_ =	shalt  }
0x7b: {  	_ =	shalt  }
0x7c: {  	_ =	shalt  }
0x7d: {  	_ =	shalt  }
0x7e: {  	_ =	shalt  }
0x7f: {  	_ =	shalt  }
0x80: {  	_ =	shalt  }
0x81: {  	_ =	shalt  }
0x82: {  	_ =	shalt  }
0x83: {  	_ =	shalt  }
0x84: {  	_ =	shalt  }
0x85: {  	_ =	shalt  }
0x86: {  	_ =	shalt  }
0x87: {  	_ =	shalt  }
.Lfunc_end0:
.L_simem_size_0:
called_computation_lowered:
.L_overlay_start_0:
0x88: {  	s2 =	sld [smem:$0x3FD9]  }
0x89: {  	s3 =	sld [smem:$0x3FFE];
	_ =	sdelay $0x1  }
0x8a: {  	s1 =	srdreg.scid  }
0x8b: {  	s0 =	sand.u32 $0x1, s1  }
0x8c: {  	s15 =	sshll.u32 s0, $0xA;
	s2 =	sadd.s32 s3, s2  }
0x8d: {  	s2 =	sadd.s32 s2, s15  }
0x8e: {  	[smem:$0x3FC6] =	sst s2  }
0x8f: {  	_ = 	snop  }
0x90: {  	s2 =	sld [smem:$0x3FD0];
	_ =	sdelay $0x1  }
0x91: {  	s16 =	sld [smem:$0x3FC9]  }
0x92: {  	s5 =	simm.s32 $0xA;
	s6 =	simm.s32 $0x10;
	s4 =	sld [smem:$0x3FC8]  }
0x93: {  	[smem:s6], [sflag:s5] =	dma.local [hbm:s2], $0x1  }
0x94: {  	_ =	swait.eq [sflag:s5], $0x1  }
0x95: {  	[sflag:s5] =	ssyncset.done $0x0  }
0x96: {  	[sflag:s5] =	ssyncadd.s32 $0xFFFFFFFF  }
0x97: {  	s17 =	sld [smem:$0x11];
	(tm) =	ssettm $0x1  }
0x98: {  	s18 =	sld [smem:$0x3FFB];
	_ =	sdelay $0x3  }
0x99: {  	_ =	strace s18  }
0x9a: {  	s5 =	sld [smem:$0x3FFC];
	_ =	sdelay $0x3  }
0x9b: {  	_ =	strace s5  }
0x9c: {  	s5 =	sld [smem:$0x3FFD];
	_ =	sdelay $0x3  }
0x9d: {  	_ =	strace s5  }
0x9e: {  	_ =	strace $0x8FFFFFFF  }
0x9f: {  	s19 =	sld [smem:$0x3FDB];
	_ =	sdelay $0x1  }
0xa0: {  	s20 =	simm.s32 $_scs_section_size  }
0xa1: {  	s7 =	simm.s32 $_size__tile_overlayer_lowered;
	s8 =	simm.s32 $_tile_overlayer_lowered  }
0xa2: {  	s23 =	simm.s32 $0x1BFF;
	s22 =	sshll.u32 s8, $0x1;
	s5 =	sadd.s32 s20, s19  }
0xa3: {  	s9 =	simm.s32 $0x0;
	s21 =	sshll.u32 s7, $0x1;
	s7 =	sadd.s32 s22, s5  }
0xa4: {  	[timem:s9], [sflag:s23] =	dma.local [hbm:s7], s21  }
0xa5: {  	_ =	swait.ge [sflag:s23], s21  }
0xa6: {  	s6 =	ssub.s32 $0x0, s21;
	[sflag:s23] =	ssyncset.done $0x0  }
0xa7: {  	[sflag:s23] =	ssyncadd.s32 s6;
	_ =	sdelay $0x1  }
0xa8: {  	s24 =	simm.s32 $0x1B8B  }
0xa9: {  	_ =	swait.ge [sflag:s24], $0x1  }
0xaa: {  	[sflag:s24] =	ssyncset.done $0x0  }
0xab: {  	s25 =	simm.s32 $0x1B8E;
	[sflag:s24] =	ssyncadd.s32 $0xFFFFFFFF  }
0xac: {  	s26 =	simm.s32 $execute0_lowered;
	[smem:$0x3FD2] =	sst s25  }
0xad: {  	s6 =	sshll.u32 s26, $0x1;
	_ =	strace $0x80000046;
	[dreg:$0x1] =	wrdreg $0xFFFFFFFF  }
0xae: {  	s28 =	simm.s32 $_size_execute0_lowered;
	s5 =	sadd.s32 s5, s6;
	[dreg:$0x0] =	wrdreg $0x0  }
0xaf: {  	s6 =	sshll.u32 s28, $0x1;
	[dreg:$0x2] =	wrdreg s5  }
0xb0: {  	[dreg:$0x3] =	wrdreg s6  }
0xb1: {  	[dreg:$0x4] =	wrdreg $0xC0  }
0xb2: {  	_ =	task [dreg:s9], $0x5FFFF  }
0xb3: {  	[dreg:$0x1] =	wrdreg $0xFFFFFFFF  }
0xb4: {  	[dreg:$0x0] =	wrdreg $0x60  }
0xb5: {  	[dreg:$0x2] =	wrdreg s16  }
0xb6: {  	[dreg:$0x3] =	wrdreg s4  }
0xb7: {  	[dreg:$0x4] =	wrdreg s17  }
0xb8: {  	[dreg:$0x5] =	wrdreg $0x9  }
0xb9: {  	_ =	task.clear_ibuf [dreg:s9], $0x6FFFF;
	_ =	strace $0x90000046  }
0xba: {  	s29 =	simm.s32 $0x9;
	_ =	strace $0x80000048  }
0xbb: {  	_ =	swait.ge [sflag:s29], $0x1  }
0xbc: {  	[sflag:s29] =	ssyncadd.s32 $0xFFFFFFFF  }
0xbd: {  	_ =	strace $0x90000048  }
0xbe: {  	_ =	sfence  }
0xbf: {  	s30 =	sld [smem:$0x0];
	_ =	sdelay $0x2  }
0xc0: {  	s31 =	sshll.u32 s1, $0xD;
	s1 =	sshrl.u32 s1, $0x2  }
0xc1: {  	s3 =	sand.u32 $0x4000, s31;
	s1 =	sadd.s32 s1, s30  }
0xc2: {  	s0 =	sor.u32 s3, s0;
	s1 =	sshll.u32 s1, $0x11  }
0xc3: {  	s0 =	sor.u32 s1, s0  }
0xc4: {  	s0 =	sadd.s32 $0x8F2B, s0  }
0xc5: {  	[sflag:s0] =	ssyncadd.remote.s32 $0x1  }
0xc6: {  	_ =	sfence.sel $0xFFFF  }
0xc7: {  	[dreg:$0x0] =	wrdreg $0xFFFFFFFF;
	(pc) =	sbr.abs _section_cstart, $3  }
0xc8: {  	[dreg:$0x1] =	wrdreg $0xFFFFFFFF  }
0xc9: {  	_ =	task.clear_ibuf [dreg:s9], $0x2FFFF;
	_ =	strace $0x9FFFFFFF  }
0xca: {  	(tm) =	ssettm $0x7FFFFFFF  }
0xcb: {  	_ =	shalt  }
tec
execute0_lowered:
.L_overlay_start_1:
0x0: {  	(tag) =	ssettag $0x1  }
0x1: {  	s1 =	rddreg [dreg:$0x0]  }
0x2: {  	s3 =	rddreg [dreg:$0x1]  }
0x3: {  	s10 =	rddreg [dreg:$0x2]  }
0x4: {  	s4 =	srdreg.scid;
	s0 =	rddreg [dreg:$0x3]  }
0x5: {  	s2 =	stileid.u32;
	s13 =	simm.s32 $0x1;
	s14 =	simm.s32 $0x28  }
0x6: {  	s15 =	simm.s32 $0x2;
	s16 =	sand.u32 $0x1, s4;
	s7 =	smul.u32 $0x1008, s2  }
0x7: {  	s4 =	simm.s32 $0x0;
	s12 =	smul.u32 $0x201, s2;
	p0 =	seq.s32 s2, $0xF  }
0x8: {  	s6 =	ssub.s32 $0x2, s16;
	[smem:$0x7FF] =	sst s4;
	s5 =	smul.u32 $0x810, s16  }
.Ltmp0:
0x9: {  	p1 =	sne.s32 s16, $0x0;
	s8 =	sshrl.u32 s6, $0x1;
	(pc) =	sbr.rel .LBB2_1-.Ltmp0, $4  }
0xa: {  	_ =	strace $0x80000047;
	s7 =	sshrl.u32 s7, $0x3;
	s11 =	ssub.s32 s6, s8  }
0xb: {  	s6 =	sadd.s32 $0xFFFFFFFF, s5;
	s9 =	sadd.s32 s10, s7;
	s7 =	sor.u32 $0x8, s5  }
0xc: {  	s8 =	sxor.u32 $0x81, s16;
	s10 =	sadd.s32 s10, s12;
	s12 =	sor.u32 $0x7, s5  }
0xd: {  	v0 =	vimm.s32 $0x0;
	s16 =	simm.s32 $0x0;
	s9 =	sadd.s32 $0x102, s9;
	s11 =	smax.u32 s11, $0x1  }
.LBB2_15:
0xe: {  	s17 =	simm.s32 @p1 $0x0;
	s18 =	simm.s32 @p1 $0x1060  }
0xf: {  	[hbm4b:s9+s17] =	stream.linear.scatter @p1 [tilespmem:s18], [sflag:$0x2], $0x7F2, $0x38;
	[tilespmem:$0x1870] =	vst v63  }
0x10: {  	s17 =	simm.s32 @p1 $0x2  }
0x11: {  	_ =	swait.ge @p1 [sflag:s17], $0x7F2  }
0x12: {  	[sflag:s17] =	ssyncset.done @p1 $0x0  }
0x13: {  	[sflag:s17] =	ssyncadd.s32 @p1 $0xFFFFF80E  }
0x14: {  	v1 =	vld @!p1 [tilespmem:$0x1060];
	_ =	sdelay $0x2  }
0x15: {  	v2 =	vlaneseq.u32 @!p1  }
0x16: {  	vm0 =	veq.s32 @!p1 v2, $0x0  }
0x17: {  	s16 =	sadd.s32 $0x1, s16;
	v1 =	vsel @!p1 vm0, $0x65, v1  }
0x18: {  	s18 =	simm.s32 @!p1 $0x1060;
	p2 =	sne.s32 s16, s11;
	s17 =	simm.s32 @!p1 $0x0;
	[tilespmem:$0x1060] =	vst @!p1 v1  }
0x19: {  	[hbm4b:s10+s17] =	stream.linear.scatter @!p1 [tilespmem:s18], [sflag:$0x2], $0x810, $0x38;
	[tilespmem:$0x1870] =	vst v63  }
.Ltmp1:
0x1a: {  	_ = 	snop;
	(pc) =	sbr.rel @!p2 .LBB2_16-.Ltmp1, $4  }
0x1b: {  	s17 =	simm.s32 @!p1 $0x2  }
0x1c: {  	_ =	swait.ge @!p1 [sflag:s17], $0x810  }
0x1d: {  	[sflag:s17] =	ssyncset.done @!p1 $0x0  }
0x1e: {  	[sflag:s17] =	ssyncadd.s32 @!p1 $0xFFFFF7F0  }
.LBB2_1:
0x1f: {  	[tilespmem:s4], [sflag:$0x1] =	stream.linear.gather [hbm4b:s3+s4], $0x10, $0x38;
	[tilespmem:$0x1870] =	vst v63  }
0x20: {  	_ =	swait.ge [sflag:s13], $0x10  }
0x21: {  	[sflag:s13] =	ssyncset.done $0x0  }
0x22: {  	[sflag:s13] =	ssyncadd.s32 $0xFFFFFFF0  }
0x23: {  	v1 =	vld [tilespmem:s2+$0x0];
	_ =	sdelay $0x4  }
0x24: {  	(v2sf) =	vpush v1, $0x0;
	_ =	sdelay $0x4  }
0x25: {  	v1 =	vld [tilespmem:s2+$0x1];
	_ =	sdelay $0x4  }
0x26: {  	(v2sf) =	vpush v1, $0x0;
	_ =	sdelay $0x4  }
0x27: {  	s17 =	spop (v2sf)  }
0x28: {  	s20 =	sadd.s32 s6, s17  }
0x29: {  	p2 =	sgt.s32 s20, $0x0  }
0x2a: {  	p3 =	slt.s32 s20, $0x1;
	s20 =	simm.s32 @!p2 $0x0  }
0x2b: {  	s18 =	sand.u32 $0x7, s20  }
0x2c: {  	p4 =	sne.s32 s18, $0x0  }
0x2d: {  	p2 =	por !p3, !p4  }
0x2e: {  	s18 =	simm.s32 $0xFFFFFFFF;
	p2 =	por !p2, !p2  }
0x2f: {  	s18 =	simm.s32 @!p2 $0x0  }
0x30: {  	s23 =	sshll.u32 s18, $0x3  }
0x31: {  	s21 =	spop (v2sf);
	s18 =	sadd.s32 s20, s23  }
0x32: {  	s21 =	simm.s32 @p0 $0x8000;
	s19 =	sand.u32 $0xFFFFFFF8, s18  }
0x33: {  	s18 =	ssub.s32 s21, s17;
	p2 =	slt.s32 s19, $0x77E8  }
0x34: {  	s19 =	simm.s32 @!p2 $0x77E8;
	p2 =	slt.s32 s18, $0x1000  }
0x35: {  	s29 =	sshrl.u32 s19, $0x3;
	s18 =	simm.s32 @!p2 $0x1000  }
0x36: {  	s21 =	sadd.s32 s1, s29;
	s30 =	ssub.s32 s18, s5  }
0x37: {  	[tilespmem:s14], [sflag:$0x2] =	stream.linear.gather [hbm4b:s21+s4], $0x818, $0x38;
	[tilespmem:$0x1870] =	vst v63  }
0x38: {  	s22 =	sadd.s32 $0x1, s30;
	p2 =	slt.u32 s30, $0x7FFFFFFF;
	s21 =	simm.s32 $0x1  }
0x39: {  	s24 =	sshra.s32 s22, $0x1F;
	s21 =	simm.s32 @!p2 $0x0  }
0x3a: {  	s25 =	sand.u32 $0xF, s22;
	s21 =	sadd.s32 s21, s24  }
0x3b: {  	p6 =	sne.s32 s25, $0x0;
	p5 =	sne.s32 s21, $0x1  }
0x3c: {  	s31 =	sshrl.u32 s24, $0x1C;
	p2 =	por !p6, !p5  }
0x3d: {  	s21 =	sadd.s32 s31, s22;
	s22 =	simm.s32 $0x1;
	p2 =	por !p2, !p2  }
0x3e: {  	s21 =	sshra.s32 s21, $0x4;
	s22 =	simm.s32 @!p2 $0x0  }
0x3f: {  	s22 =	ssub.s32 s21, s22  }
0x40: {  	p2 =	sgt.s32 s22, $0x0;
	s21 =	smov.u32 s22  }
0x41: {  	s21 =	simm.s32 @!p2 $0x0  }
0x42: {  	s21 =	smin.u32 s8, s21  }
0x43: {  	s24 =	sand.u32 $0xF8, s21  }
0x44: {  	p2 =	seq.s32 s24, $0x0  }
.Ltmp2:
0x45: {  	_ = 	snop;
	(pc) =	sbr.rel @p2 .LBB2_5-.Ltmp2, $4  }
0x46: {  	_ = 	snop  }
0x47: {  	_ =	swait.ge [sflag:s15], $0x818  }
0x48: {  	[sflag:s15] =	ssyncset.done $0x0  }
0x49: {  	[sflag:s15] =	ssyncadd.s32 $0xFFFFF7E8  }
0x4a: {  	s25 =	sadd.s32 s23, s20  }
0x4b: {  	s25 =	sand.u32 $0xFFFFFFF8, s25  }
0x4c: {  	p2 =	slt.s32 s25, $0x77E8  }
0x4d: {  	s26 =	sadd.s32 s17, s12;
	s25 =	simm.s32 @!p2 $0x77E8  }
0x4e: {  	s25 =	ssub.s32 s26, s25  }
0x4f: {  	p2 =	slt.s32 s25, $0x820  }
0x50: {  	s25 =	simm.s32 @!p2 $0x820  }
0x51: {  	s25 =	sshll.u32 s25, $0x2  }
0x52: {  	s25 =	sshra.s32 s25, $0x2  }
0x53: {  	s28 =	sadd.s32 $0x60, s25  }
0x54: {  	v4 =	vld [tilespmem:s28+$0x30]  }
0x55: {  	v5 =	vld [tilespmem:s28+$0xFFFFFFD0]  }
0x56: {  	p2 =	sgt.u32 s24, $0x8;
	v6 =	vld [tilespmem:s28+$0xFFFFFFE0]  }
.Ltmp3:
0x57: {  	v2 =	vld [tilespmem:s28+$0xFFFFFFF0];
	(pc) =	sbr.rel @!p2 .LBB2_4-.Ltmp3, $4  }
0x58: {  	s25 =	simm.s32 $0x10A0;
	v1 =	vld [tilespmem:s28+$0x0]  }
0x59: {  	v3 =	vld [tilespmem:s28+$0x10];
	[tilespmem:s25+$0x30] =	vst v4  }
0x5a: {  	[tilespmem:s25+$0xFFFFFFD0] =	vst v5;
	v4 =	vld [tilespmem:s28+$0x20]  }
0x5b: {  	s26 =	simm.s32 $0x8;
	v5 =	vld [tilespmem:s28+$0xFFFFFFC0];
	[tilespmem:s25+$0xFFFFFFE0] =	vst v6;
	s28 =	sadd.s32 $0x80, s28  }
.LBB2_3:
0x5c: {  	v6 =	vld [tilespmem:s28+$0x30];
	s26 =	sadd.s32 $0x8, s26;
	[tilespmem:s25+$0xFFFFFFF0] =	vst v2  }
0x5d: {  	v7 =	vld [tilespmem:s28+$0xFFFFFFD0];
	p2 =	slt.u32 s26, s24;
	[tilespmem:s25+$0x0] =	vst v1  }
0x5e: {  	v8 =	vld [tilespmem:s28+$0xFFFFFFE0];
	[tilespmem:s25+$0x10] =	vst v3  }
.Ltmp4:
0x5f: {  	v2 =	vld [tilespmem:s28+$0xFFFFFFF0];
	[tilespmem:s25+$0x20] =	vst v4;
	(pc) =	sbr.rel @p2 .LBB2_3-.Ltmp4, $4  }
0x60: {  	v1 =	vld [tilespmem:s28+$0x0];
	[tilespmem:s25+$0xFFFFFFC0] =	vst v5;
	s25 =	sadd.s32 $0x80, s25  }
0x61: {  	v3 =	vld [tilespmem:s28+$0x10];
	[tilespmem:s25+$0x30] =	vst v6  }
0x62: {  	[tilespmem:s25+$0xFFFFFFD0] =	vst v7;
	v4 =	vld [tilespmem:s28+$0x20]  }
0x63: {  	v5 =	vld [tilespmem:s28+$0xFFFFFFC0];
	[tilespmem:s25+$0xFFFFFFE0] =	vst v8;
	s28 =	sadd.s32 $0x80, s28  }
.LBB2_4:
0x64: {  	[tilespmem:s25+$0xFFFFFFF0] =	vst v2  }
0x65: {  	[tilespmem:s25+$0x0] =	vst v1  }
0x66: {  	[tilespmem:s25+$0x10] =	vst v3  }
0x67: {  	[tilespmem:s25+$0x20] =	vst v4  }
0x68: {  	[tilespmem:s25+$0xFFFFFFC0] =	vst v5  }
.LBB2_5:
0x69: {  	p2 =	seq.s32 s24, s21  }
.Ltmp5:
0x6a: {  	_ = 	snop;
	(pc) =	sbr.rel @p2 .LBB2_8-.Ltmp5, $1  }
0x6b: {  	_ =	sdelay $0x3  }
0x6c: {  	s20 =	sadd.s32 s23, s20  }
0x6d: {  	s20 =	sand.u32 $0xFFFFFFF8, s20  }
0x6e: {  	p2 =	slt.s32 s20, $0x77E8  }
0x6f: {  	s30 =	sadd.s32 s17, s12;
	s20 =	simm.s32 @!p2 $0x77E8  }
0x70: {  	s20 =	ssub.s32 s30, s20  }
0x71: {  	p2 =	slt.s32 s20, $0x820  }
0x72: {  	s31 =	sshll.u32 s21, $0x6;
	s20 =	simm.s32 @!p2 $0x820  }
0x73: {  	s23 =	sand.u32 $0x3E00, s31;
	s20 =	sshll.u32 s20, $0x2  }
0x74: {  	s20 =	sadd.s32 s20, s23  }
0x75: {  	s23 =	sshrl.u32 s23, $0x2;
	s25 =	sshra.s32 s20, $0x2  }
0x76: {  	s20 =	sor.u32 $0x1060, s23;
	s23 =	sadd.s32 $0x20, s25  }
.LBB2_7:
0x77: {  	s24 =	sadd.s32 $0x1, s24  }
0x78: {  	v1 =	vld [tilespmem:s23+$0x0];
	p2 =	slt.u32 s24, s21  }
.Ltmp6:
0x79: {  	_ = 	snop;
	(pc) =	sbr.rel @p2 .LBB2_7-.Ltmp6, $2  }
0x7a: {  	_ =	sdelay $0x2  }
0x7b: {  	s23 =	sadd.s32 $0x10, s23;
	[tilespmem:s20+$0x0] =	vst v1;
	s20 =	sadd.s32 $0x10, s20  }
.LBB2_8:
0x7c: {  	s19 =	sxor.u32 $0xFFFFFFFF, s19;
	s17 =	sadd.s32 s7, s17  }
0x7d: {  	s17 =	sadd.s32 s19, s17  }
0x7e: {  	p2 =	sge.s32 s22, s8;
	p3 =	slt.s32 s17, $0x820  }
0x7f: {  	s20 =	sshll.u32 @!p2 s21, $0x4;
	s17 =	simm.s32 @!p3 $0x820  }
0x80: {  	s17 =	sadd.s32 @!p2 s20, s17  }
0x81: {  	v2 =	vlaneseq.u32 @!p2;
	v1 =	vld @!p2 [tilespmem:s17+$0x20];
	s17 =	sadd.s32 @!p2 s5, s20  }
0x82: {  	s30 =	sadd.s32 $0x1, s21;
	v3 =	vor.u32 @!p2 s17, v2  }
0x83: {  	s21 =	sadd.s32 @!p2 $0x1, s18;
	vm0 =	vgt.s32 @!p2 v3, s18;
	s18 =	smin.u32 s30, s8  }
0x84: {  	s19 =	ssub.s32 s8, s18  }
0x85: {  	s31 =	sand.u32 $0xFFFFFFF8, s19  }
0x86: {  	p3 =	seq.s32 s31, $0x0  }
.Ltmp7:
0x87: {  	_ = 	snop;
	(pc) =	sbr.rel @p3 .LBB2_12-.Ltmp7, $4  }
0x88: {  	v4 =	vmov @!p2 s17;
	v1 =	vsel @!p2 vm0, $0x0, v1;
	vm0 =	veq.s32 @!p2 v3, s21  }
0x89: {  	vm1 =	veq.s32 @!p2 v4, v2;
	v1 =	vsel @!p2 vm0, $0x66, v1  }
0x8a: {  	v1 =	vsel @!p2 vm1, $0x65, v1  }
0x8b: {  	s17 =	sadd.s32 s18, s31;
	[tilespmem:s20+$0x1060] =	vst @!p2 v1  }
0x8c: {  	s20 =	sshll.u32 s18, $0x4  }
0x8d: {  	s20 =	sadd.s32 $0x10A0, s20  }
0x8e: {  	s21 =	sadd.s32 $0x8, s18;
	[tilespmem:s20+$0xFFFFFFC0] =	vst v0  }
0x8f: {  	p2 =	slt.s32 s21, s17;
	[tilespmem:s20+$0x30] =	vst v0  }
.Ltmp8:
0x90: {  	[tilespmem:s20+$0x20] =	vst v0;
	(pc) =	sbr.rel @!p2 .LBB2_11-.Ltmp8, $4  }
0x91: {  	[tilespmem:s20+$0x10] =	vst v0  }
0x92: {  	[tilespmem:s20+$0x0] =	vst v0  }
0x93: {  	[tilespmem:s20+$0xFFFFFFF0] =	vst v0  }
0x94: {  	[tilespmem:s20+$0xFFFFFFE0] =	vst v0  }
.LBB2_10:
0x95: {  	s21 =	sadd.s32 $0x8, s21;
	[tilespmem:s20+$0xFFFFFFD0] =	vst v0;
	s20 =	sadd.s32 $0x80, s20  }
0x96: {  	[tilespmem:s20+$0xFFFFFFC0] =	vst v0;
	p2 =	slt.s32 s21, s17  }
0x97: {  	[tilespmem:s20+$0x30] =	vst v0  }
.Ltmp9:
0x98: {  	[tilespmem:s20+$0x20] =	vst v0;
	(pc) =	sbr.rel @p2 .LBB2_10-.Ltmp9, $4  }
0x99: {  	[tilespmem:s20+$0x10] =	vst v0  }
0x9a: {  	[tilespmem:s20+$0x0] =	vst v0  }
0x9b: {  	[tilespmem:s20+$0xFFFFFFF0] =	vst v0  }
0x9c: {  	[tilespmem:s20+$0xFFFFFFE0] =	vst v0  }
.LBB2_11:
0x9d: {  	[tilespmem:s20+$0xFFFFFFD0] =	vst v0  }
.LBB2_12:
0x9e: {  	p2 =	sge.u32 s17, s8  }
.Ltmp10:
0x9f: {  	_ = 	snop;
	(pc) =	sbr.rel @p2 .LBB2_15-.Ltmp10, $1  }
0xa0: {  	_ =	sdelay $0x3  }
0xa1: {  	s19 =	sshll.u32 s19, $0x6  }
0xa2: {  	s18 =	sshll.u32 s18, $0x6;
	s19 =	sand.u32 $0xFFFFFE00, s19  }
0xa3: {  	s18 =	sadd.s32 s18, s19  }
0xa4: {  	s18 =	sshra.s32 s18, $0x2  }
0xa5: {  	s18 =	sadd.s32 $0x1060, s18  }
.LBB2_14:
0xa6: {  	s17 =	sadd.s32 $0x1, s17  }
0xa7: {  	p2 =	slt.u32 s17, s8  }
.Ltmp11:
0xa8: {  	_ = 	snop;
	(pc) =	sbr.rel @p2 .LBB2_14-.Ltmp11, $2  }
0xa9: {  	_ =	sdelay $0x2  }
0xaa: {  	[tilespmem:s18+$0x0] =	vst v0;
	s18 =	sadd.s32 $0x10, s18  }
.Ltmp12:
0xab: {  	_ = 	snop;
	(pc) =	sbr.rel .LBB2_15-.Ltmp12, $1  }
0xac: {  	_ =	sdelay $0x3  }
.LBB2_16:
0xad: {  	_ =	sfence.sel $0x180000  }
0xae: {  	[bflag:$0x0] =	sbarrier.arrive $0xFFFF  }
0xaf: {  	p0 =	sne.s32 s2, $0x0;
	_ =	strace $0x90000047  }
0xb0: {  	s0 =	sadd.s32 @!p0 $0x100000, s0;
	[bflag:$0x2] =	sbarrier.arrive $0xFFFF  }
0xb1: {  	[sflag:s0] =	ssyncadd.tile.s32 @!p0 $0x1;
	_ =	shalt  }
.Lfunc_end2:
_tile_overlayer_lowered:
.L_overlay_start_2:
0xb2: {  	(tag) =	ssettag $0x2  }
0xb3: {  	s0 =	rddreg [dreg:$0x0];
	s2 =	stileid.u32  }
0xb4: {  	s1 =	rddreg [dreg:$0x1];
	p0 =	sne.s32 s2, $0x0  }
0xb5: {  	s3 =	rddreg [dreg:$0x2];
	[bflag:$0x3] =	sbarrier.arrive $0xFFFF;
	s2 =	simm.s32 @!p0 $0x1C02  }
0xb6: {  	[timem:s3], [sflag:s2] =	dma.local @!p0 [hbm:s0], s1  }
0xb7: {  	s0 =	simm.s32 @!p0 $0x2  }
0xb8: {  	_ =	swait.ge @!p0 [sflag:s0], s1  }
0xb9: {  	s1 =	ssub.s32 @!p0 $0x0, s1;
	[sflag:s0] =	ssyncset.done @!p0 $0x0  }
0xba: {  	[sflag:s0] =	ssyncadd.s32 @!p0 s1  }
0xbb: {  	[bflag:$0x3] =	sbarrier.arrive $0xFFFF  }
0xbc: {  	_ =	shalt  }

</sc_bundles>
